<compile_context>
chip_gen: v7x
topology: tpu7x:2x2x1
jax: 0.10.2.dev20260603
libtpu: 0.0.44.dev20260713+nightly
codegen_flags: <defaults>
</compile_context>

<pallas_src>
import functools

import jax
import jax.numpy as jnp
from jax.experimental import pallas as pl
from jax.experimental.pallas import tpu as pltpu
from jax.experimental.pallas import tpu_sc as plsc

_MESH = plsc.ScalarSubcoreMesh(axis_name="c", num_cores=1)


def _body(p_hbm, out_hbm, pv, ov, sem):
    pltpu.sync_copy(p_hbm, pv)

    xs = [pv[i] for i in range(8)]
    flat = (
        xs[4] + 2.0 * xs[6],
        xs[5] + 2.0 * xs[7],
        xs[0],
        xs[1],
        3.0 * xs[6],
        3.0 * xs[7],
    )
    for j in range(4):
        acc = pv[32 + j]
        for k in range(6):
            acc = acc + flat[k] * pv[8 + 6 * j + k]
        ov[j] = acc
    pltpu.sync_copy(ov, out_hbm)


@jax.jit
def _run(packed):
    k = functools.partial(
        pl.kernel,
        out_type=jax.ShapeDtypeStruct((4,), jnp.float32),
        mesh=_MESH,
        scratch_types=[
            pltpu.SMEM((36,), jnp.float32),
            pltpu.SMEM((4,), jnp.float32),
            pltpu.SemaphoreType.DMA,
        ],
        compiler_params=pltpu.CompilerParams(needs_layout_passes=False),
    )(_body)
    return k(packed)


def kernel(x, W, b):
    return _run(jnp.concatenate([x.reshape(8), W.reshape(24), b]))

# --- scband reference (transcript-rebuilt; emitter-appended) ---
"""Pipeline reference for scband-sparse-test-11879879543418 (READ-ONLY COPY).

The authoritative reference and input builder live on the scoring server;
editing this copy changes nothing except your own understanding.
"""

import jax, jax.numpy as jnp
import numpy as np


def setup_inputs(seed: int = 0) -> dict:
    key = jax.random.key(seed)
    k1, k2, k3 = jax.random.split(key, 3)
    x = jax.random.normal(k1, (4, 2), dtype=jnp.float32)
    # nn.Linear(6, 4): weight [4, 6], bias [4], default torch init ~U(-1/sqrt(6), 1/sqrt(6))
    bound = 1.0 / np.sqrt(6.0)
    W = jax.random.uniform(k2, (4, 6), dtype=jnp.float32, minval=-bound, maxval=bound)
    b = jax.random.uniform(k3, (4,), dtype=jnp.float32, minval=-bound, maxval=bound)
    return {"x": x, "W": W, "b": b}


def reference(x, W, b):
    # Fixed sparse COO matrix S of size [3, 4]:
    # indices rows=[0,0,1,2], cols=[2,3,0,3], values=[1.,2.,1.,3.]
    rows = jnp.array([0, 0, 1, 2], dtype=jnp.int32)
    cols = jnp.array([2, 3, 0, 3], dtype=jnp.int32)
    vals = jnp.array([1.0, 2.0, 1.0, 3.0], dtype=jnp.float32)
    # spmm(S, x): gather rows of x by col index, scale by values, scatter-add into output rows
    gathered = vals[:, None] * jnp.take(x, cols, axis=0)  # [nnz, 2]
    y = jax.ops.segment_sum(gathered, rows, num_segments=3)  # [3, 2]
    flat = y.reshape(-1)  # [6]
    out = flat @ W.T + b  # [4]
    return out

if __name__ == "__main__":
    import jax
    _d = setup_inputs()
    print(jax.jit(kernel)(*tuple(_d.values())))

</pallas_src>

<mosaic_0001>
#map = affine_map<(d0) -> (0)>
module attributes {stable_mosaic.version = 14 : i64} {
  func.func @_body(%arg0: i32, %arg1: memref<36xf32, #tpu.memory_space<hbm>>, %arg2: memref<4xf32, #tpu.memory_space<hbm>>, %arg3: memref<36xf32, #tpu.memory_space<smem>>, %arg4: memref<4xf32, #tpu.memory_space<smem>>, %arg5: memref<!tpu.dma_semaphore, #tpu.memory_space<semaphore_mem>>) attributes {dimension_semantics = [#tpu.dimension_semantics<core_parallel>], iteration_bounds = array<i64: 1>, scalar_prefetch = 0 : i64, scratch_operands = 3 : i64, tpu.core_type = #tpu.core_type<sc_scalar_subcore>, window_params = [{transform_indices = #map}, {transform_indices = #map}]} {
    "tpu.region"() ({
      %run_scoped3A = tpu.sem_alloc : memref<!tpu.dma_semaphore, #tpu.memory_space<semaphore_mem>>
      tpu.enqueue_dma source(%arg1 : memref<36xf32, #tpu.memory_space<hbm>>) target(%arg3 : memref<36xf32, #tpu.memory_space<smem>>) target_semaphore(%run_scoped3A : memref<!tpu.dma_semaphore, #tpu.memory_space<semaphore_mem>>)
      tpu.wait_dma2 semaphore(%run_scoped3A : memref<!tpu.dma_semaphore, #tpu.memory_space<semaphore_mem>>) src(%arg1 : memref<36xf32, #tpu.memory_space<hbm>>) dst(%arg3 : memref<36xf32, #tpu.memory_space<smem>>)
      tpu.yield
    }) : () -> ()
    %get3A = arith.constant 0 : i32
    %get3A_0 = arith.index_cast %get3A : i32 to index
    %get3A_1 = memref.load %arg3[%get3A_0] : memref<36xf32, #tpu.memory_space<smem>>
    %get3A_2 = arith.constant 1 : i32
    %get3A_3 = arith.index_cast %get3A_2 : i32 to index
    %get3A_4 = memref.load %arg3[%get3A_3] : memref<36xf32, #tpu.memory_space<smem>>
    %get3A_5 = arith.constant 2 : i32
    %get3A_6 = arith.index_cast %get3A_5 : i32 to index
    %get3A_7 = memref.load %arg3[%get3A_6] : memref<36xf32, #tpu.memory_space<smem>>
    %get3A_8 = arith.constant 3 : i32
    %get3A_9 = arith.index_cast %get3A_8 : i32 to index
    %get3A_10 = memref.load %arg3[%get3A_9] : memref<36xf32, #tpu.memory_space<smem>>
    %get3A_11 = arith.constant 4 : i32
    %get3A_12 = arith.index_cast %get3A_11 : i32 to index
    %get3A_13 = memref.load %arg3[%get3A_12] : memref<36xf32, #tpu.memory_space<smem>>
    %get3A_14 = arith.constant 5 : i32
    %get3A_15 = arith.index_cast %get3A_14 : i32 to index
    %get3A_16 = memref.load %arg3[%get3A_15] : memref<36xf32, #tpu.memory_space<smem>>
    %get3A_17 = arith.constant 6 : i32
    %get3A_18 = arith.index_cast %get3A_17 : i32 to index
    %get3A_19 = memref.load %arg3[%get3A_18] : memref<36xf32, #tpu.memory_space<smem>>
    %get3A_20 = arith.constant 7 : i32
    %get3A_21 = arith.index_cast %get3A_20 : i32 to index
    %get3A_22 = memref.load %arg3[%get3A_21] : memref<36xf32, #tpu.memory_space<smem>>
    %mul3A = arith.constant 2.000000e+00 : f32
    %mul3A_23 = arith.mulf %mul3A, %get3A_19 : f32
    %add3A = arith.addf %get3A_13, %mul3A_23 : f32
    %mul3A_24 = arith.constant 2.000000e+00 : f32
    %mul3A_25 = arith.mulf %mul3A_24, %get3A_22 : f32
    %add3A_26 = arith.addf %get3A_16, %mul3A_25 : f32
    %mul3A_27 = arith.constant 3.000000e+00 : f32
    %mul3A_28 = arith.mulf %mul3A_27, %get3A_19 : f32
    %mul3A_29 = arith.constant 3.000000e+00 : f32
    %mul3A_30 = arith.mulf %mul3A_29, %get3A_22 : f32
    %get3A_31 = arith.constant 32 : i32
    %get3A_32 = arith.index_cast %get3A_31 : i32 to index
    %get3A_33 = memref.load %arg3[%get3A_32] : memref<36xf32, #tpu.memory_space<smem>>
    %get3A_34 = arith.constant 8 : i32
    %get3A_35 = arith.index_cast %get3A_34 : i32 to index
    %get3A_36 = memref.load %arg3[%get3A_35] : memref<36xf32, #tpu.memory_space<smem>>
    %mul3A_37 = arith.mulf %add3A, %get3A_36 : f32
    %add3A_38 = arith.addf %get3A_33, %mul3A_37 : f32
    %get3A_39 = arith.constant 9 : i32
    %get3A_40 = arith.index_cast %get3A_39 : i32 to index
    %get3A_41 = memref.load %arg3[%get3A_40] : memref<36xf32, #tpu.memory_space<smem>>
    %mul3A_42 = arith.mulf %add3A_26, %get3A_41 : f32
    %add3A_43 = arith.addf %add3A_38, %mul3A_42 : f32
    %get3A_44 = arith.constant 10 : i32
    %get3A_45 = arith.index_cast %get3A_44 : i32 to index
    %get3A_46 = memref.load %arg3[%get3A_45] : memref<36xf32, #tpu.memory_space<smem>>
    %mul3A_47 = arith.mulf %get3A_1, %get3A_46 : f32
    %add3A_48 = arith.addf %add3A_43, %mul3A_47 : f32
    %get3A_49 = arith.constant 11 : i32
    %get3A_50 = arith.index_cast %get3A_49 : i32 to index
    %get3A_51 = memref.load %arg3[%get3A_50] : memref<36xf32, #tpu.memory_space<smem>>
    %mul3A_52 = arith.mulf %get3A_4, %get3A_51 : f32
    %add3A_53 = arith.addf %add3A_48, %mul3A_52 : f32
    %get3A_54 = arith.constant 12 : i32
    %get3A_55 = arith.index_cast %get3A_54 : i32 to index
    %get3A_56 = memref.load %arg3[%get3A_55] : memref<36xf32, #tpu.memory_space<smem>>
    %mul3A_57 = arith.mulf %mul3A_28, %get3A_56 : f32
    %add3A_58 = arith.addf %add3A_53, %mul3A_57 : f32
    %get3A_59 = arith.constant 13 : i32
    %get3A_60 = arith.index_cast %get3A_59 : i32 to index
    %get3A_61 = memref.load %arg3[%get3A_60] : memref<36xf32, #tpu.memory_space<smem>>
    %mul3A_62 = arith.mulf %mul3A_30, %get3A_61 : f32
    %add3A_63 = arith.addf %add3A_58, %mul3A_62 : f32
    %swap3A = arith.constant 0 : i32
    %swap3A_64 = arith.index_cast %swap3A : i32 to index
    %swap3A_65 = memref.load %arg4[%swap3A_64] : memref<4xf32, #tpu.memory_space<smem>>
    memref.store %add3A_63, %arg4[%swap3A_64] : memref<4xf32, #tpu.memory_space<smem>>
    %get3A_66 = arith.constant 33 : i32
    %get3A_67 = arith.index_cast %get3A_66 : i32 to index
    %get3A_68 = memref.load %arg3[%get3A_67] : memref<36xf32, #tpu.memory_space<smem>>
    %get3A_69 = arith.constant 14 : i32
    %get3A_70 = arith.index_cast %get3A_69 : i32 to index
    %get3A_71 = memref.load %arg3[%get3A_70] : memref<36xf32, #tpu.memory_space<smem>>
    %mul3A_72 = arith.mulf %add3A, %get3A_71 : f32
    %add3A_73 = arith.addf %get3A_68, %mul3A_72 : f32
    %get3A_74 = arith.constant 15 : i32
    %get3A_75 = arith.index_cast %get3A_74 : i32 to index
    %get3A_76 = memref.load %arg3[%get3A_75] : memref<36xf32, #tpu.memory_space<smem>>
    %mul3A_77 = arith.mulf %add3A_26, %get3A_76 : f32
    %add3A_78 = arith.addf %add3A_73, %mul3A_77 : f32
    %get3A_79 = arith.constant 16 : i32
    %get3A_80 = arith.index_cast %get3A_79 : i32 to index
    %get3A_81 = memref.load %arg3[%get3A_80] : memref<36xf32, #tpu.memory_space<smem>>
    %mul3A_82 = arith.mulf %get3A_1, %get3A_81 : f32
    %add3A_83 = arith.addf %add3A_78, %mul3A_82 : f32
    %get3A_84 = arith.constant 17 : i32
    %get3A_85 = arith.index_cast %get3A_84 : i32 to index
    %get3A_86 = memref.load %arg3[%get3A_85] : memref<36xf32, #tpu.memory_space<smem>>
    %mul3A_87 = arith.mulf %get3A_4, %get3A_86 : f32
    %add3A_88 = arith.addf %add3A_83, %mul3A_87 : f32
    %get3A_89 = arith.constant 18 : i32
    %get3A_90 = arith.index_cast %get3A_89 : i32 to index
    %get3A_91 = memref.load %arg3[%get3A_90] : memref<36xf32, #tpu.memory_space<smem>>
    %mul3A_92 = arith.mulf %mul3A_28, %get3A_91 : f32
    %add3A_93 = arith.addf %add3A_88, %mul3A_92 : f32
    %get3A_94 = arith.constant 19 : i32
    %get3A_95 = arith.index_cast %get3A_94 : i32 to index
    %get3A_96 = memref.load %arg3[%get3A_95] : memref<36xf32, #tpu.memory_space<smem>>
    %mul3A_97 = arith.mulf %mul3A_30, %get3A_96 : f32
    %add3A_98 = arith.addf %add3A_93, %mul3A_97 : f32
    %swap3A_99 = arith.constant 1 : i32
    %swap3A_100 = arith.index_cast %swap3A_99 : i32 to index
    %swap3A_101 = memref.load %arg4[%swap3A_100] : memref<4xf32, #tpu.memory_space<smem>>
    memref.store %add3A_98, %arg4[%swap3A_100] : memref<4xf32, #tpu.memory_space<smem>>
    %get3A_102 = arith.constant 34 : i32
    %get3A_103 = arith.index_cast %get3A_102 : i32 to index
    %get3A_104 = memref.load %arg3[%get3A_103] : memref<36xf32, #tpu.memory_space<smem>>
    %get3A_105 = arith.constant 20 : i32
    %get3A_106 = arith.index_cast %get3A_105 : i32 to index
    %get3A_107 = memref.load %arg3[%get3A_106] : memref<36xf32, #tpu.memory_space<smem>>
    %mul3A_108 = arith.mulf %add3A, %get3A_107 : f32
    %add3A_109 = arith.addf %get3A_104, %mul3A_108 : f32
    %get3A_110 = arith.constant 21 : i32
    %get3A_111 = arith.index_cast %get3A_110 : i32 to index
    %get3A_112 = memref.load %arg3[%get3A_111] : memref<36xf32, #tpu.memory_space<smem>>
    %mul3A_113 = arith.mulf %add3A_26, %get3A_112 : f32
    %add3A_114 = arith.addf %add3A_109, %mul3A_113 : f32
    %get3A_115 = arith.constant 22 : i32
    %get3A_116 = arith.index_cast %get3A_115 : i32 to index
    %get3A_117 = memref.load %arg3[%get3A_116] : memref<36xf32, #tpu.memory_space<smem>>
    %mul3A_118 = arith.mulf %get3A_1, %get3A_117 : f32
    %add3A_119 = arith.addf %add3A_114, %mul3A_118 : f32
    %get3A_120 = arith.constant 23 : i32
    %get3A_121 = arith.index_cast %get3A_120 : i32 to index
    %get3A_122 = memref.load %arg3[%get3A_121] : memref<36xf32, #tpu.memory_space<smem>>
    %mul3A_123 = arith.mulf %get3A_4, %get3A_122 : f32
    %add3A_124 = arith.addf %add3A_119, %mul3A_123 : f32
    %get3A_125 = arith.constant 24 : i32
    %get3A_126 = arith.index_cast %get3A_125 : i32 to index
    %get3A_127 = memref.load %arg3[%get3A_126] : memref<36xf32, #tpu.memory_space<smem>>
    %mul3A_128 = arith.mulf %mul3A_28, %get3A_127 : f32
    %add3A_129 = arith.addf %add3A_124, %mul3A_128 : f32
    %get3A_130 = arith.constant 25 : i32
    %get3A_131 = arith.index_cast %get3A_130 : i32 to index
    %get3A_132 = memref.load %arg3[%get3A_131] : memref<36xf32, #tpu.memory_space<smem>>
    %mul3A_133 = arith.mulf %mul3A_30, %get3A_132 : f32
    %add3A_134 = arith.addf %add3A_129, %mul3A_133 : f32
    %swap3A_135 = arith.constant 2 : i32
    %swap3A_136 = arith.index_cast %swap3A_135 : i32 to index
    %swap3A_137 = memref.load %arg4[%swap3A_136] : memref<4xf32, #tpu.memory_space<smem>>
    memref.store %add3A_134, %arg4[%swap3A_136] : memref<4xf32, #tpu.memory_space<smem>>
    %get3A_138 = arith.constant 35 : i32
    %get3A_139 = arith.index_cast %get3A_138 : i32 to index
    %get3A_140 = memref.load %arg3[%get3A_139] : memref<36xf32, #tpu.memory_space<smem>>
    %get3A_141 = arith.constant 26 : i32
    %get3A_142 = arith.index_cast %get3A_141 : i32 to index
    %get3A_143 = memref.load %arg3[%get3A_142] : memref<36xf32, #tpu.memory_space<smem>>
    %mul3A_144 = arith.mulf %add3A, %get3A_143 : f32
    %add3A_145 = arith.addf %get3A_140, %mul3A_144 : f32
    %get3A_146 = arith.constant 27 : i32
    %get3A_147 = arith.index_cast %get3A_146 : i32 to index
    %get3A_148 = memref.load %arg3[%get3A_147] : memref<36xf32, #tpu.memory_space<smem>>
    %mul3A_149 = arith.mulf %add3A_26, %get3A_148 : f32
    %add3A_150 = arith.addf %add3A_145, %mul3A_149 : f32
    %get3A_151 = arith.constant 28 : i32
    %get3A_152 = arith.index_cast %get3A_151 : i32 to index
    %get3A_153 = memref.load %arg3[%get3A_152] : memref<36xf32, #tpu.memory_space<smem>>
    %mul3A_154 = arith.mulf %get3A_1, %get3A_153 : f32
    %add3A_155 = arith.addf %add3A_150, %mul3A_154 : f32
    %get3A_156 = arith.constant 29 : i32
    %get3A_157 = arith.index_cast %get3A_156 : i32 to index
    %get3A_158 = memref.load %arg3[%get3A_157] : memref<36xf32, #tpu.memory_space<smem>>
    %mul3A_159 = arith.mulf %get3A_4, %get3A_158 : f32
    %add3A_160 = arith.addf %add3A_155, %mul3A_159 : f32
    %get3A_161 = arith.constant 30 : i32
    %get3A_162 = arith.index_cast %get3A_161 : i32 to index
    %get3A_163 = memref.load %arg3[%get3A_162] : memref<36xf32, #tpu.memory_space<smem>>
    %mul3A_164 = arith.mulf %mul3A_28, %get3A_163 : f32
    %add3A_165 = arith.addf %add3A_160, %mul3A_164 : f32
    %get3A_166 = arith.constant 31 : i32
    %get3A_167 = arith.index_cast %get3A_166 : i32 to index
    %get3A_168 = memref.load %arg3[%get3A_167] : memref<36xf32, #tpu.memory_space<smem>>
    %mul3A_169 = arith.mulf %mul3A_30, %get3A_168 : f32
    %add3A_170 = arith.addf %add3A_165, %mul3A_169 : f32
    %swap3A_171 = arith.constant 3 : i32
    %swap3A_172 = arith.index_cast %swap3A_171 : i32 to index
    %swap3A_173 = memref.load %arg4[%swap3A_172] : memref<4xf32, #tpu.memory_space<smem>>
    memref.store %add3A_170, %arg4[%swap3A_172] : memref<4xf32, #tpu.memory_space<smem>>
    "tpu.region"() ({
      %run_scoped3A = tpu.sem_alloc : memref<!tpu.dma_semaphore, #tpu.memory_space<semaphore_mem>>
      tpu.enqueue_dma source(%arg4 : memref<4xf32, #tpu.memory_space<smem>>) target(%arg2 : memref<4xf32, #tpu.memory_space<hbm>>) target_semaphore(%run_scoped3A : memref<!tpu.dma_semaphore, #tpu.memory_space<semaphore_mem>>)
      tpu.wait_dma2 semaphore(%run_scoped3A : memref<!tpu.dma_semaphore, #tpu.memory_space<semaphore_mem>>) src(%arg4 : memref<4xf32, #tpu.memory_space<smem>>) dst(%arg2 : memref<4xf32, #tpu.memory_space<hbm>>)
      tpu.yield
    }) : () -> ()
    return
  }
}

</mosaic_0001>

<sc_bundles>
// kernel: _run.3.cloned.1.call-start
scs
__scs_entry_jumppad:
0x0: {  	(pc) =	sbr.rel $0x88, $3  }
0x1: {  	(tag) =	ssettag $0x0;
	lr =	simm.s32 $0x1  }
0x2: {  	[smem:$0x3FA0] =	sst lr;
	_ =	strace $0xD0000000  }
0x3: {  	_ = 	snop  }
0x4: {  	_ = 	snop  }
0x5: {  	_ = 	snop  }
0x6: {  	_ = 	snop  }
0x7: {  	_ = 	snop  }
__scs_overlays_trampoline_lowered:
0x8: {  	[smem:$0x3FAF] =	sst s0  }
0x9: {  	[smem:$0x3FB0] =	sst s1  }
0xa: {  	[smem:$0x3FB1] =	sst s2  }
0xb: {  	[smem:$0x3FB2] =	sst s3  }
0xc: {  	[smem:$0x3FB3] =	sst s4  }
0xd: {  	[smem:$0x3FB4] =	sst s5  }
0xe: {  	[smem:$0x3FB5] =	sst s6  }
0xf: {  	[smem:$0x3FB6] =	sst s7  }
0x10: {  	[smem:$0x3FB7] =	sst s8  }
0x11: {  	[smem:$0x3FB8] =	sst s9;
	s0 =	simm.s32 @!p0 $0x0  }
0x12: {  	s1 =	sld [smem:$0x3F9E];
	s0 =	simm.s32 @p0 $0x1  }
0x13: {  	[smem:$0x3FB9] =	sst s0;
	s0 =	simm.s32 @!p1 $0x0  }
0x14: {  	s2 =	sld [smem:$0x3F9D];
	s0 =	simm.s32 @p1 $0x1  }
0x15: {  	[smem:$0x3FBA] =	sst s0;
	s0 =	simm.s32 @!p2 $0x0  }
0x16: {  	s3 =	sld [smem:$0x3FDB];
	s0 =	simm.s32 @p2 $0x1  }
0x17: {  	s4 =	simm.s32 $0x1BF5;
	[smem:$0x3FBC] =	sst s0  }
0x18: {  	s0 =	sld [smem:$0x3F9F];
	_ =	swait.ge [sflag:s4], $0x0  }
0x19: {  	s7 =	sld [smem:$0x3FA0]  }
0x1a: {  	s8 =	sadd.s32 $0xFFFFE003, lr  }
0x1b: {  	s9 =	sadd.s32 $0xFFFFFEF7, lr;
	s5 =	simm.s32 $0xFFFFFFFF;
	p2 =	slt.u32 s8, $0xFFFFF086  }
0x1c: {  	p1 =	slt.u32 s9, $0xF7A;
	s5 =	simm.s32 @!p2 $0x0  }
0x1d: {  	s5 =	simm.s32 @p1 $0x1;
	p0 =	seq.s32 s7, s2  }
0x1e: {  	s7 =	smul.u32 @!p0 $0xF7A, s2;
	p2 =	seq.s32 @!p0 s5, $0x0  }
0x1f: {  	s9 =	smul.u32 $0xF7A, s1;
	s8 =	simm.s32 @!p0 $0x1BF5;
	p2 =	por !p2, p0  }
0x20: {  	[sflag:s8] =	ssyncset.s32 @!p0 $0xFFFFF086;
	s6 =	sadd.s32 @!p0 s3, s7;
	s7 =	simm.s32 @!p0 $0x108  }
0x21: {  	s3 =	sadd.s32 s3, s9;
	s6 =	sadd.s32 @!p0 $0x88, s6;
	s7 =	simm.s32 @p2 $0x1082  }
0x22: {  	[simem:s7], [sflag:s8] =	dma.local @!p0 [hbm:s6], $0xF7A  }
0x23: {  	s9 =	sor.u32 $0xD0000000, s2;
	s6 =	simm.s32 $0x108;
	_ =	swait.ge @!p0 [sflag:s8], $0x0  }
0x24: {  	s3 =	sadd.s32 $0x88, s3;
	s6 =	simm.s32 @!p1 $0x1082;
	[sflag:s4] =	ssyncset.s32 $0xFFFFF086  }
0x25: {  	[simem:s6], [sflag:s4] =	dma.local [hbm:s3], $0xF7A  }
0x26: {  	[smem:$0x3FA0] =	sst s1;
	(tag) =	ssettag s2;
	_ =	strace s9  }
0x27: {  	s1 =	sld [smem:$0x3FB0]  }
0x28: {  	s2 =	sld [smem:$0x3FB1]  }
0x29: {  	s4 =	sld [smem:$0x3FB3]  }
0x2a: {  	p0 =	seq.s32 s5, $0x0;
	s5 =	sld [smem:$0x3FB4]  }
0x2b: {  	s6 =	sld [smem:$0x3FB5]  }
0x2c: {  	s7 =	sld [smem:$0x3FB6]  }
0x2d: {  	s3 =	simm.s32 $0x108;
	s8 =	sld [smem:$0x3FB7]  }
0x2e: {  	s3 =	simm.s32 @!p0 $0x1082;
	s9 =	sld [smem:$0x3FB8]  }
0x2f: {  	lr =	sadd.s32 s0, s3;
	s0 =	sld [smem:$0x3FAF]  }
0x30: {  	s3 =	sld [smem:$0x3FB2]  }
0x31: {  	[smem:$0x3FBB] =	sst s10  }
0x32: {  	s10 =	sld [smem:$0x3FB9];
	_ =	sdelay $0x3  }
0x33: {  	p0 =	seq.s32 s10, $0x1;
	s10 =	sld [smem:$0x3FBB];
	_ =	sdelay $0x3  }
0x34: {  	[smem:$0x3FBB] =	sst s10  }
0x35: {  	s10 =	sld [smem:$0x3FBA];
	_ =	sdelay $0x3  }
0x36: {  	p1 =	seq.s32 s10, $0x1;
	s10 =	sld [smem:$0x3FBB];
	_ =	sdelay $0x3  }
0x37: {  	[smem:$0x3FBB] =	sst s10  }
0x38: {  	s10 =	sld [smem:$0x3FBC]  }
0x39: {  	_ = 	snop;
	(pc) =	sbr.ind lr, $3  }
0x3a: {  	_ = 	snop  }
0x3b: {  	_ = 	snop  }
0x3c: {  	p2 =	seq.s32 s10, $0x1;
	s10 =	sld [smem:$0x3FBB]  }
0x3d: {  	_ =	shalt  }
0x3e: {  	_ =	shalt  }
0x3f: {  	_ =	shalt  }
0x40: {  	_ =	shalt  }
0x41: {  	_ =	shalt  }
0x42: {  	_ =	shalt  }
0x43: {  	_ =	shalt  }
0x44: {  	_ =	shalt  }
0x45: {  	_ =	shalt  }
0x46: {  	_ =	shalt  }
0x47: {  	_ =	shalt  }
0x48: {  	_ =	shalt  }
0x49: {  	_ =	shalt  }
0x4a: {  	_ =	shalt  }
0x4b: {  	_ =	shalt  }
0x4c: {  	_ =	shalt  }
0x4d: {  	_ =	shalt  }
0x4e: {  	_ =	shalt  }
0x4f: {  	_ =	shalt  }
0x50: {  	_ =	shalt  }
0x51: {  	_ =	shalt  }
0x52: {  	_ =	shalt  }
0x53: {  	_ =	shalt  }
0x54: {  	_ =	shalt  }
0x55: {  	_ =	shalt  }
0x56: {  	_ =	shalt  }
0x57: {  	_ =	shalt  }
0x58: {  	_ =	shalt  }
0x59: {  	_ =	shalt  }
0x5a: {  	_ =	shalt  }
0x5b: {  	_ =	shalt  }
0x5c: {  	_ =	shalt  }
0x5d: {  	_ =	shalt  }
0x5e: {  	_ =	shalt  }
0x5f: {  	_ =	shalt  }
0x60: {  	_ =	shalt  }
0x61: {  	_ =	shalt  }
0x62: {  	_ =	shalt  }
0x63: {  	_ =	shalt  }
0x64: {  	_ =	shalt  }
0x65: {  	_ =	shalt  }
0x66: {  	_ =	shalt  }
0x67: {  	_ =	shalt  }
0x68: {  	_ =	shalt  }
0x69: {  	_ =	shalt  }
0x6a: {  	_ =	shalt  }
0x6b: {  	_ =	shalt  }
0x6c: {  	_ =	shalt  }
0x6d: {  	_ =	shalt  }
0x6e: {  	_ =	shalt  }
0x6f: {  	_ =	shalt  }
0x70: {  	_ =	shalt  }
0x71: {  	_ =	shalt  }
0x72: {  	_ =	shalt  }
0x73: {  	_ =	shalt  }
0x74: {  	_ =	shalt  }
0x75: {  	_ =	shalt  }
0x76: {  	_ =	shalt  }
0x77: {  	_ =	shalt  }
0x78: {  	_ =	shalt  }
0x79: {  	_ =	shalt  }
0x7a: {  	_ =	shalt  }
0x7b: {  	_ =	shalt  }
0x7c: {  	_ =	shalt  }
0x7d: {  	_ =	shalt  }
0x7e: {  	_ =	shalt  }
0x7f: {  	_ =	shalt  }
0x80: {  	_ =	shalt  }
0x81: {  	_ =	shalt  }
0x82: {  	_ =	shalt  }
0x83: {  	_ =	shalt  }
0x84: {  	_ =	shalt  }
0x85: {  	_ =	shalt  }
0x86: {  	_ =	shalt  }
0x87: {  	_ =	shalt  }
.Lfunc_end0:
.L_simem_size_0:
called_computation_lowered:
.L_overlay_start_0:
0x88: {  	s0 =	sld [smem:$0x3FD9]  }
0x89: {  	s1 =	sld [smem:$0x3FFE];
	_ =	sdelay $0x3  }
0x8a: {  	s0 =	sadd.s32 s1, s0  }
0x8b: {  	[smem:$0x3FC7] =	sst s0  }
0x8c: {  	_ = 	snop  }
0x8d: {  	s2 =	sld [smem:$0x3FC9]  }
0x8e: {  	s0 =	sld [smem:$0x3FD0];
	(tm) =	ssettm $0x1  }
0x8f: {  	s22 =	sld [smem:$0x3FFB];
	_ =	sdelay $0x3  }
0x90: {  	_ =	strace s22  }
0x91: {  	s1 =	sld [smem:$0x3FFC];
	_ =	sdelay $0x3  }
0x92: {  	_ =	strace s1  }
0x93: {  	s1 =	sld [smem:$0x3FFD];
	_ =	sdelay $0x3  }
0x94: {  	_ =	strace s1  }
0x95: {  	s23 =	simm.s32 $0x1B8B;
	_ =	strace $0x8FFFFFFF  }
0x96: {  	_ =	swait.ge [sflag:s23], $0x1  }
0x97: {  	[sflag:s23] =	ssyncset.done $0x0  }
0x98: {  	s24 =	simm.s32 $0x1B8E;
	[sflag:s23] =	ssyncadd.s32 $0xFFFFFFFF  }
0x99: {  	[smem:$0x3FD2] =	sst s24  }
0x9a: {  	s3 =	simm.s32 $0x10;
	s1 =	simm.s32 $0x9;
	_ =	strace $0x80000046  }
0x9b: {  	[smem:s3], [sflag:s1] =	dma.local [hbm:s2], $0x10  }
0x9c: {  	_ =	swait.ge [sflag:s1], $0x10  }
0x9d: {  	[sflag:s1] =	ssyncset.done $0x0  }
0x9e: {  	[sflag:s1] =	ssyncadd.s32 $0xFFFFFFF0  }
0x9f: {  	s6 =	sld [smem:$0x16]  }
0xa0: {  	s2 =	sld [smem:$0x10]  }
0xa1: {  	s25 =	sld [smem:$0x14]  }
0xa2: {  	s7 =	sld [smem:$0x17]  }
0xa3: {  	s5 =	sld [smem:$0x15]  }
0xa4: {  	s8 =	sld [smem:$0x18]  }
0xa5: {  	s9 =	sld [smem:$0x30]  }
0xa6: {  	s10 =	sld [smem:$0x19]  }
0xa7: {  	s11 =	sld [smem:$0x1A]  }
0xa8: {  	s4 =	sadd.f32 s6, s6  }
0xa9: {  	s26 =	sadd.f32 s7, s7  }
0xaa: {  	s4 =	sadd.f32 s4, s25  }
0xab: {  	s3 =	sld [smem:$0x11]  }
0xac: {  	s5 =	sadd.f32 s26, s5;
	s8 =	smul.f32 s8, s4  }
0xad: {  	s29 =	sld [smem:$0x1B]  }
0xae: {  	s28 =	smul.f32 s10, s5;
	s8 =	sadd.f32 s8, s9  }
0xaf: {  	s31 =	sld [smem:$0x1C]  }
0xb0: {  	s30 =	smul.f32 s11, s2;
	s8 =	sadd.f32 s28, s8  }
0xb1: {  	s12 =	sld [smem:$0x1D];
	s6 =	smul.f32 $3.000000000e+00, s6  }
0xb2: {  	s10 =	smul.f32 s29, s3;
	s8 =	sadd.f32 s30, s8  }
0xb3: {  	s7 =	smul.f32 $3.000000000e+00, s7  }
0xb4: {  	s13 =	smul.f32 s31, s6;
	s8 =	sadd.f32 s10, s8  }
0xb5: {  	_ = 	snop  }
0xb6: {  	s14 =	smul.f32 s12, s7;
	s8 =	sadd.f32 s13, s8  }
0xb7: {  	_ = 	snop  }
0xb8: {  	s8 =	sadd.f32 s14, s8;
	_ =	sdelay $0x1  }
0xb9: {  	[smem:$0x90] =	sst s8  }
0xba: {  	s8 =	sld [smem:$0x1E]  }
0xbb: {  	s15 =	sld [smem:$0x31]  }
0xbc: {  	s16 =	sld [smem:$0x1F];
	_ =	sdelay $0x1  }
0xbd: {  	s17 =	sld [smem:$0x20];
	s8 =	smul.f32 s8, s4  }
0xbe: {  	s19 =	sld [smem:$0x21]  }
0xbf: {  	s18 =	smul.f32 s16, s5;
	s8 =	sadd.f32 s8, s15  }
0xc0: {  	s21 =	sld [smem:$0x22]  }
0xc1: {  	s20 =	smul.f32 s17, s2;
	s8 =	sadd.f32 s18, s8  }
0xc2: {  	s23 =	sld [smem:$0x23]  }
0xc3: {  	s22 =	smul.f32 s19, s3;
	s8 =	sadd.f32 s20, s8  }
0xc4: {  	_ = 	snop  }
0xc5: {  	s24 =	smul.f32 s21, s6;
	s8 =	sadd.f32 s22, s8  }
0xc6: {  	_ = 	snop  }
0xc7: {  	s25 =	smul.f32 s23, s7;
	s8 =	sadd.f32 s24, s8  }
0xc8: {  	_ = 	snop  }
0xc9: {  	s8 =	sadd.f32 s25, s8;
	_ =	sdelay $0x1  }
0xca: {  	[smem:$0x91] =	sst s8  }
0xcb: {  	s8 =	sld [smem:$0x24]  }
0xcc: {  	s26 =	sld [smem:$0x32]  }
0xcd: {  	s28 =	sld [smem:$0x25];
	_ =	sdelay $0x1  }
0xce: {  	s29 =	sld [smem:$0x26];
	s8 =	smul.f32 s8, s4  }
0xcf: {  	s31 =	sld [smem:$0x27]  }
0xd0: {  	s30 =	smul.f32 s28, s5;
	s8 =	sadd.f32 s8, s26  }
0xd1: {  	s13 =	sld [smem:$0x28]  }
0xd2: {  	s12 =	smul.f32 s29, s2;
	s8 =	sadd.f32 s30, s8  }
0xd3: {  	s15 =	sld [smem:$0x29]  }
0xd4: {  	s14 =	smul.f32 s31, s3;
	s8 =	sadd.f32 s12, s8  }
0xd5: {  	_ = 	snop  }
0xd6: {  	s16 =	smul.f32 s13, s6;
	s8 =	sadd.f32 s14, s8  }
0xd7: {  	_ = 	snop  }
0xd8: {  	s17 =	smul.f32 s15, s7;
	s8 =	sadd.f32 s16, s8  }
0xd9: {  	_ = 	snop  }
0xda: {  	s8 =	sadd.f32 s17, s8;
	_ =	sdelay $0x1  }
0xdb: {  	[smem:$0x92] =	sst s8  }
0xdc: {  	s8 =	sld [smem:$0x2A]  }
0xdd: {  	s18 =	sld [smem:$0x33]  }
0xde: {  	s19 =	sld [smem:$0x2B];
	_ =	sdelay $0x1  }
0xdf: {  	s20 =	sld [smem:$0x2C];
	s4 =	smul.f32 s8, s4  }
0xe0: {  	s21 =	sld [smem:$0x2D]  }
0xe1: {  	s5 =	smul.f32 s19, s5;
	s4 =	sadd.f32 s4, s18  }
0xe2: {  	s22 =	sld [smem:$0x2E]  }
0xe3: {  	s2 =	smul.f32 s20, s2;
	s4 =	sadd.f32 s5, s4  }
0xe4: {  	s23 =	sld [smem:$0x2F]  }
0xe5: {  	s3 =	smul.f32 s21, s3;
	s2 =	sadd.f32 s2, s4  }
0xe6: {  	_ = 	snop  }
0xe7: {  	s24 =	smul.f32 s22, s6;
	s2 =	sadd.f32 s3, s2  }
0xe8: {  	_ = 	snop  }
0xe9: {  	s25 =	smul.f32 s23, s7;
	s2 =	sadd.f32 s24, s2  }
0xea: {  	_ = 	snop  }
0xeb: {  	s2 =	sadd.f32 s25, s2;
	_ =	sdelay $0x1  }
0xec: {  	s26 =	simm.s32 $0x90;
	[smem:$0x93] =	sst s2  }
0xed: {  	[hbm:s0], [sflag:s1] =	dma.local [smem:s26], $0x10  }
0xee: {  	_ =	swait.ge [sflag:s1], $0x10  }
0xef: {  	[sflag:s1] =	ssyncset.done $0x0  }
0xf0: {  	[sflag:s1] =	ssyncadd.s32 $0xFFFFFFF0  }
0xf1: {  	_ =	strace $0x90000046  }
0xf2: {  	_ =	sfence  }
0xf3: {  	s28 =	sld [smem:$0x0];
	_ =	sdelay $0x1  }
0xf4: {  	s29 =	srdreg.scid  }
0xf5: {  	s31 =	sshrl.u32 s29, $0x2;
	s30 =	sshll.u32 s29, $0xD  }
0xf6: {  	s2 =	sand.u32 $0x4000, s30;
	s1 =	sand.u32 $0x1, s29;
	s0 =	sadd.s32 s31, s28  }
0xf7: {  	s1 =	sor.u32 s2, s1;
	s0 =	sshll.u32 s0, $0x11  }
0xf8: {  	s0 =	sor.u32 s0, s1  }
0xf9: {  	s0 =	sadd.s32 $0x8F2B, s0;
	(pc) =	sbr.abs _section_cstart, $3  }
0xfa: {  	[sflag:s0] =	ssyncadd.remote.s32 $0x1  }
0xfb: {  	_ =	strace $0x9FFFFFFF  }
0xfc: {  	(tm) =	ssettm $0x7FFFFFFF  }
0xfd: {  	_ =	shalt  }

</sc_bundles>
